<compile_context>
chip_gen: v7x
topology: tpu7x:2x2x1
jax: 0.10.2.dev20260603
libtpu: 0.0.44.dev20260713+nightly
codegen_flags: <defaults>
</compile_context>

<pallas_src>
import functools

import jax
import jax.numpy as jnp
from jax import lax
from jax.experimental import pallas as pl
from jax.experimental.pallas import tpu as pltpu
from jax.experimental.pallas import tpu_sc as plsc



def _make_sc_gather(num_rows, emb_dim, dtype, chunk=128):
    info = plsc.get_sparse_core_info()
    nw = info.num_cores * info.num_subcores
    assert num_rows % (nw * chunk) == 0
    rows_per_w = num_rows // nw
    chunks_per_w = rows_per_w // chunk
    mesh = plsc.VectorSubcoreMesh(core_axis_name="c", subcore_axis_name="s")

    @functools.partial(
        pl.kernel,
        mesh=mesh,
        out_type=jax.ShapeDtypeStruct((num_rows, emb_dim), dtype),
        compiler_params=pltpu.CompilerParams(use_tc_tiling_on_sc=False),
        scratch_types=[
            pltpu.VMEM((chunks_per_w, chunk), jnp.int32),
            pltpu.VMEM((4, chunk, emb_dim), dtype),
            pltpu.SemaphoreType.DMA,
            pltpu.SemaphoreType.DMA,
            pltpu.SemaphoreType.DMA,
            pltpu.SemaphoreType.DMA,
        ],
    )
    def gather_k(idx_hbm, table_hbm, out_hbm, idx_v, rows_v,
                 gsem0, gsem1, osem0, osem1):
        wid = lax.axis_index("s") * info.num_cores + lax.axis_index("c")
        row0 = wid * chunks_per_w
        pltpu.sync_copy(idx_hbm.at[wid], idx_v)

        def gather_start(j, buf, sem):
            pltpu.async_copy(table_hbm.at[idx_v.at[j]], rows_v.at[buf], sem)

        def gather_wait(j, buf, sem):
            pltpu.make_async_copy(
                table_hbm.at[idx_v.at[j]], rows_v.at[buf], sem
            ).wait()

        def out_start(j, buf, sem):
            pltpu.async_copy(
                rows_v.at[buf],
                out_hbm.at[pl.ds((row0 + j) * chunk, chunk)],
                sem,
            )

        def out_wait(j, buf, sem):
            pltpu.make_async_copy(
                rows_v.at[buf],
                out_hbm.at[pl.ds((row0 + j) * chunk, chunk)],
                sem,
            ).wait()

        gather_start(0, 0, gsem0)
        gather_start(1, 1, gsem1)

        def body(j, _):
            buf = lax.rem(j, 4)
            gsel = lax.rem(j, 2)

            @pl.when(gsel == 0)
            def _():
                gather_wait(j, buf, gsem0)

            @pl.when(gsel == 1)
            def _():
                gather_wait(j, buf, gsem1)

            @pl.when(j >= 2)
            def _():
                @pl.when(gsel == 0)
                def _():
                    out_wait(j - 2, lax.rem(j - 2, 4), osem0)

                @pl.when(gsel == 1)
                def _():
                    out_wait(j - 2, lax.rem(j - 2, 4), osem1)

            @pl.when(j + 2 < chunks_per_w)
            def _():
                @pl.when(gsel == 0)
                def _():
                    gather_start(j + 2, lax.rem(j + 2, 4), gsem0)

                @pl.when(gsel == 1)
                def _():
                    gather_start(j + 2, lax.rem(j + 2, 4), gsem1)

            @pl.when(gsel == 0)
            def _():
                out_start(j, buf, osem0)

            @pl.when(gsel == 1)
            def _():
                out_start(j, buf, osem1)

            return 0

        lax.fori_loop(0, chunks_per_w, body, 0)
        j0 = chunks_per_w - 2
        out_wait(j0, lax.rem(j0, 4), [osem0, osem1][j0 % 2])
        j1 = chunks_per_w - 1
        out_wait(j1, lax.rem(j1, 4), [osem0, osem1][j1 % 2])

    def gather_fn(idx_flat, table):
        return gather_k(idx_flat.reshape(nw, chunks_per_w, chunk), table)

    return gather_fn



def _gru_body(emb_ref, wih_ref, whh_ref, bias_a_ref, bias_n_ref, hs_ref,
              hn_ref, h_ref):
    t_len = pl.num_programs(0)
    t = pl.program_id(0)
    h_dim = hn_ref.shape[0]

    @pl.when(t == 0)
    def _():
        h_ref[...] = jnp.zeros_like(h_ref)

    x = emb_ref[0]
    h = h_ref[...]
    gx = jnp.dot(x, wih_ref[...], preferred_element_type=jnp.float32)
    gh = jnp.dot(h, whh_ref[...], preferred_element_type=jnp.float32)
    gh = gh + bias_a_ref[...]
    rz = jax.nn.sigmoid(gx[:, : 2 * h_dim] + gh[:, : 2 * h_dim])
    z = rz[:, h_dim:]
    n = jnp.tanh(
        gx[:, 2 * h_dim:] + rz[:, :h_dim] * gh[:, 2 * h_dim:]
        + bias_n_ref[...]
    )
    h = (1.0 - z) * n + z * h
    h_ref[...] = h
    hs_ref[0] = h.T

    @pl.when(t == t_len - 1)
    def _():
        hn_ref[...] = h.T


def _gru(emb, wih_t, whh_t, bias_a, bias_n, interpret=False):
    t_len, b, e = emb.shape
    h_dim = whh_t.shape[0]
    return pl.pallas_call(
        _gru_body,
        grid=(t_len,),
        in_specs=[
            pl.BlockSpec((1, b, e), lambda t: (t, 0, 0)),
            pl.BlockSpec((e, 3 * h_dim), lambda t: (0, 0)),
            pl.BlockSpec((h_dim, 3 * h_dim), lambda t: (0, 0)),
            pl.BlockSpec((1, 3 * h_dim), lambda t: (0, 0)),
            pl.BlockSpec((1, h_dim), lambda t: (0, 0)),
        ],
        out_specs=[
            pl.BlockSpec((1, h_dim, b), lambda t: (t, 0, 0)),
            pl.BlockSpec((h_dim, b), lambda t: (0, 0)),
        ],
        out_shape=[
            jax.ShapeDtypeStruct((t_len, h_dim, b), jnp.float32),
            jax.ShapeDtypeStruct((h_dim, b), jnp.float32),
        ],
        scratch_shapes=[pltpu.VMEM((b, h_dim), jnp.float32)],
        compiler_params=pltpu.CompilerParams(
            fuse_transposed_lhs_in_matmul=False,
        ),
        interpret=interpret,
    )(emb, wih_t, whh_t, bias_a, bias_n)



def kernel(data, emb_table, W_ih, W_hh, b_ih, b_hh):
    b, t_len = data.shape
    e = emb_table.shape[1]
    h_dim = W_hh.shape[1]
    num_rows = b * t_len
    chunk = 128

    e_pad = 128
    table128 = jnp.pad(emb_table, ((0, 0), (0, e_pad - e)))
    idx_flat = data.T.reshape(num_rows)
    gather = _make_sc_gather(num_rows, e_pad, jnp.float32, chunk=chunk)
    emb_flat = gather(idx_flat, table128)
    emb = emb_flat.reshape(t_len, b, e_pad)

    bias_a = jnp.concatenate(
        [b_ih[: 2 * h_dim] + b_hh[: 2 * h_dim], b_hh[2 * h_dim:]]
    ).reshape(1, 3 * h_dim)
    bias_n = b_ih[2 * h_dim:].reshape(1, h_dim)
    wih_pad = jnp.pad(W_ih.T, ((0, e_pad - e), (0, 0)))
    hs_thb, hn_hb = _gru(emb, wih_pad, W_hh.T, bias_a, bias_n)
    hidden_states = jnp.transpose(hs_thb, (2, 0, 1))
    final_h = hn_hb.T[None]
    return hidden_states, final_h

# --- scband reference (transcript-rebuilt; emitter-appended) ---
"""Pipeline reference for scband-encoder-35278861369399 (READ-ONLY COPY).

The authoritative reference and input builder live on the scoring server;
editing this copy changes nothing except your own understanding.
"""

import jax, jax.numpy as jnp
import numpy as np

VOCAB = 1000000
EMB = 64
HID = 64
B = 4096
T = 50


def setup_inputs(seed: int = 0) -> dict:
    key = jax.random.key(seed)
    k_data, k_emb, k_wih, k_whh, k_bih, k_bhh = jax.random.split(key, 6)
    data = jax.random.randint(k_data, (B, T), 0, VOCAB, dtype=jnp.int32)
    emb_table = 0.02 * jax.random.normal(k_emb, (VOCAB, EMB), dtype=jnp.float32)
    emb_table = emb_table.at[0].set(0.0)  # padding_idx=0
    s = 1.0 / np.sqrt(HID)
    W_ih = jax.random.uniform(k_wih, (3 * HID, EMB), minval=-s, maxval=s, dtype=jnp.float32)
    W_hh = jax.random.uniform(k_whh, (3 * HID, HID), minval=-s, maxval=s, dtype=jnp.float32)
    b_ih = jax.random.uniform(k_bih, (3 * HID,), minval=-s, maxval=s, dtype=jnp.float32)
    b_hh = jax.random.uniform(k_bhh, (3 * HID,), minval=-s, maxval=s, dtype=jnp.float32)
    return {"data": data, "emb_table": emb_table, "W_ih": W_ih, "W_hh": W_hh, "b_ih": b_ih, "b_hh": b_hh}


def reference(data, emb_table, W_ih, W_hh, b_ih, b_hh):
    # Embedding lookup with padding_idx=0 (row 0 forced to zero)
    table = emb_table.at[0].set(0.0)
    emb = jnp.take(table, data, axis=0)  # [B, T, E]

    def step(h, x_t):
        gx = x_t @ W_ih.T + b_ih  # [B, 3H]
        gh = h @ W_hh.T + b_hh    # [B, 3H]
        r = jax.nn.sigmoid(gx[:, :HID] + gh[:, :HID])
        z = jax.nn.sigmoid(gx[:, HID:2 * HID] + gh[:, HID:2 * HID])
        n = jnp.tanh(gx[:, 2 * HID:] + r * gh[:, 2 * HID:])
        h_new = (1.0 - z) * n + z * h
        return h_new, h_new

    h0 = jnp.zeros((B, HID), dtype=jnp.float32)
    final_h, hs = jax.lax.scan(step, h0, jnp.swapaxes(emb, 0, 1))
    hidden_states = jnp.swapaxes(hs, 0, 1)  # [B, T, H]
    # final_hidden_state[num_layers-1].unsqueeze(0) -> [1, B, H]
    return (hidden_states, final_h[None, :, :])

if __name__ == "__main__":
    import jax
    _d = setup_inputs()
    print(jax.jit(kernel)(*tuple(_d.values())))

</pallas_src>

<mosaic_0001>
#map = affine_map<(d0, d1) -> (0, 0, 0)>
#map1 = affine_map<(d0, d1) -> (0, 0)>
module attributes {stable_mosaic.version = 14 : i64} {
  func.func @gather_k(%arg0: i32, %arg1: i32, %arg2: memref<32x50x128xi32, #tpu.memory_space<hbm>>, %arg3: memref<1000000x128xf32, #tpu.memory_space<hbm>>, %arg4: memref<204800x128xf32, #tpu.memory_space<hbm>>, %arg5: memref<50x128xi32, #tpu.memory_space<vmem>>, %arg6: memref<4x128x128xf32, #tpu.memory_space<vmem>>, %arg7: memref<!tpu.dma_semaphore, #tpu.memory_space<semaphore_mem>>, %arg8: memref<!tpu.dma_semaphore, #tpu.memory_space<semaphore_mem>>, %arg9: memref<!tpu.dma_semaphore, #tpu.memory_space<semaphore_mem>>, %arg10: memref<!tpu.dma_semaphore, #tpu.memory_space<semaphore_mem>>) attributes {dimension_semantics = [#tpu.dimension_semantics<core_parallel>, #tpu.dimension_semantics<subcore_parallel>], iteration_bounds = array<i64: 2, 16>, scalar_prefetch = 0 : i64, scratch_operands = 6 : i64, tpu.core_type = #tpu.core_type<sc_vector_subcore>, window_params = [{transform_indices = #map}, {transform_indices = #map1}, {transform_indices = #map1}]} {
    %mul3A = arith.constant 2 : i32
    %mul3A_0 = arith.muli %arg1, %mul3A : i32
    %add3A = arith.addi %mul3A_0, %arg0 : i32
    %mul3A_1 = arith.constant 50 : i32
    %mul3A_2 = arith.muli %add3A, %mul3A_1 : i32
    "tpu.region"() ({
      %run_scoped3A = tpu.sem_alloc : memref<!tpu.dma_semaphore, #tpu.memory_space<semaphore_mem>>
      %dma_start3A_68 = arith.constant 0 : i32
      %dma_start3A_69 = arith.constant 0 : i32
      %dma_start3A_70 = tpu.memref_slice %arg2[%add3A, %dma_start3A_68, %dma_start3A_69] : memref<32x50x128xi32, #tpu.memory_space<hbm>> -> memref<1x50x128xi32, #tpu.memory_space<hbm>>
      %dma_start3A_71 = tpu.memref_squeeze %dma_start3A_70 : memref<1x50x128xi32, #tpu.memory_space<hbm>> -> memref<50x128xi32, #tpu.memory_space<hbm>>
      %dma_start3A_72 = arith.constant 0 : i32
      %dma_start3A_73 = arith.constant 0 : i32
      %dma_start3A_74 = tpu.memref_slice %arg2[%add3A, %dma_start3A_72, %dma_start3A_73] : memref<32x50x128xi32, #tpu.memory_space<hbm>> -> memref<1x50x128xi32, #tpu.memory_space<hbm>>
      %dma_start3A_75 = tpu.memref_squeeze %dma_start3A_74 : memref<1x50x128xi32, #tpu.memory_space<hbm>> -> memref<50x128xi32, #tpu.memory_space<hbm>>
      tpu.enqueue_dma source(%dma_start3A_75 : memref<50x128xi32, #tpu.memory_space<hbm>>) target(%arg5 : memref<50x128xi32, #tpu.memory_space<vmem>>) target_semaphore(%run_scoped3A : memref<!tpu.dma_semaphore, #tpu.memory_space<semaphore_mem>>)
      %dma_wait3A_76 = arith.constant 0 : i32
      %dma_wait3A_77 = arith.constant 0 : i32
      %dma_wait3A_78 = tpu.memref_slice %arg2[%add3A, %dma_wait3A_76, %dma_wait3A_77] : memref<32x50x128xi32, #tpu.memory_space<hbm>> -> memref<1x50x128xi32, #tpu.memory_space<hbm>>
      %dma_wait3A_79 = tpu.memref_squeeze %dma_wait3A_78 : memref<1x50x128xi32, #tpu.memory_space<hbm>> -> memref<50x128xi32, #tpu.memory_space<hbm>>
      %dma_wait3A_80 = arith.constant 0 : i32
      %dma_wait3A_81 = arith.constant 0 : i32
      %dma_wait3A_82 = tpu.memref_slice %arg2[%add3A, %dma_wait3A_80, %dma_wait3A_81] : memref<32x50x128xi32, #tpu.memory_space<hbm>> -> memref<1x50x128xi32, #tpu.memory_space<hbm>>
      %dma_wait3A_83 = tpu.memref_squeeze %dma_wait3A_82 : memref<1x50x128xi32, #tpu.memory_space<hbm>> -> memref<50x128xi32, #tpu.memory_space<hbm>>
      tpu.wait_dma2 semaphore(%run_scoped3A : memref<!tpu.dma_semaphore, #tpu.memory_space<semaphore_mem>>) src(%dma_wait3A_83 : memref<50x128xi32, #tpu.memory_space<hbm>>) dst(%arg5 : memref<50x128xi32, #tpu.memory_space<vmem>>)
      tpu.yield
    }) : () -> ()
    %dma_start3A = arith.constant 0 : i32
    %dma_start3A_3 = arith.constant 0 : i32
    %dma_start3A_4 = arith.constant 0 : i32
    %dma_start3A_5 = arith.constant 0 : i32
    %dma_start3A_6 = tpu.memref_slice %arg6[%dma_start3A_3, %dma_start3A_4, %dma_start3A_5] : memref<4x128x128xf32, #tpu.memory_space<vmem>> -> memref<1x128x128xf32, #tpu.memory_space<vmem>>
    %dma_start3A_7 = tpu.memref_squeeze %dma_start3A_6 : memref<1x128x128xf32, #tpu.memory_space<vmem>> -> memref<128x128xf32, #tpu.memory_space<vmem>>
    %dma_start3A_8 = arith.constant 0 : i32
    %dma_start3A_9 = tpu.memref_slice %arg5[%dma_start3A, %dma_start3A_8] : memref<50x128xi32, #tpu.memory_space<vmem>> -> memref<1x128xi32, #tpu.memory_space<vmem>>
    %dma_start3A_10 = tpu.memref_squeeze %dma_start3A_9 : memref<1x128xi32, #tpu.memory_space<vmem>> -> memref<128xi32, #tpu.memory_space<vmem>>
    %dma_start3A_11 = arith.constant 0 : i32
    %dma_start3A_12 = arith.constant 0 : i32
    %dma_start3A_13 = tpu.memref_slice %arg3[%dma_start3A_11, %dma_start3A_12] : memref<1000000x128xf32, #tpu.memory_space<hbm>> -> memref<1000000x128xf32, #tpu.memory_space<hbm>>
    tpu.enqueue_indirect_dma source(%dma_start3A_13 : memref<1000000x128xf32, #tpu.memory_space<hbm>>) target(%dma_start3A_7 : memref<128x128xf32, #tpu.memory_space<vmem>>) offsets(%dma_start3A_10 : memref<128xi32, #tpu.memory_space<vmem>>) semaphore(%arg7 : memref<!tpu.dma_semaphore, #tpu.memory_space<semaphore_mem>>)
    %dma_start3A_14 = arith.constant 1 : i32
    %dma_start3A_15 = arith.constant 1 : i32
    %dma_start3A_16 = arith.constant 0 : i32
    %dma_start3A_17 = arith.constant 0 : i32
    %dma_start3A_18 = tpu.memref_slice %arg6[%dma_start3A_15, %dma_start3A_16, %dma_start3A_17] : memref<4x128x128xf32, #tpu.memory_space<vmem>> -> memref<1x128x128xf32, #tpu.memory_space<vmem>>
    %dma_start3A_19 = tpu.memref_squeeze %dma_start3A_18 : memref<1x128x128xf32, #tpu.memory_space<vmem>> -> memref<128x128xf32, #tpu.memory_space<vmem>>
    %dma_start3A_20 = arith.constant 0 : i32
    %dma_start3A_21 = tpu.memref_slice %arg5[%dma_start3A_14, %dma_start3A_20] : memref<50x128xi32, #tpu.memory_space<vmem>> -> memref<1x128xi32, #tpu.memory_space<vmem>>
    %dma_start3A_22 = tpu.memref_squeeze %dma_start3A_21 : memref<1x128xi32, #tpu.memory_space<vmem>> -> memref<128xi32, #tpu.memory_space<vmem>>
    %dma_start3A_23 = arith.constant 0 : i32
    %dma_start3A_24 = arith.constant 0 : i32
    %dma_start3A_25 = tpu.memref_slice %arg3[%dma_start3A_23, %dma_start3A_24] : memref<1000000x128xf32, #tpu.memory_space<hbm>> -> memref<1000000x128xf32, #tpu.memory_space<hbm>>
    tpu.enqueue_indirect_dma source(%dma_start3A_25 : memref<1000000x128xf32, #tpu.memory_space<hbm>>) target(%dma_start3A_19 : memref<128x128xf32, #tpu.memory_space<vmem>>) offsets(%dma_start3A_22 : memref<128xi32, #tpu.memory_space<vmem>>) semaphore(%arg8 : memref<!tpu.dma_semaphore, #tpu.memory_space<semaphore_mem>>)
    %scan3A = arith.constant 0 : i32
    %scan3A_26 = arith.constant 0 : i32
    %scan3A_27 = arith.constant 50 : i32
    %scan3A_28 = arith.addi %scan3A_26, %scan3A_27 : i32
    %scan3A_29 = arith.constant 1 : i32
    %scan3A_30 = scf.for %scan3A_68 = %scan3A_26 to %scan3A_28 step %scan3A_29 iter_args(%scan3A_69 = %scan3A) -> (i32)  : i32 {
      %rem3A_70 = arith.constant 4 : i32
      %rem3A_71 = arith.remsi %scan3A_68, %rem3A_70 : i32
      %rem3A_72 = arith.constant 2 : i32
      %rem3A_73 = arith.remsi %scan3A_68, %rem3A_72 : i32
      %eq3A = arith.constant 0 : i32
      %eq3A_74 = arith.cmpi eq, %rem3A_73, %eq3A : i32
      %convert_element_type3A = arith.extui %eq3A_74 : i1 to i32
      %cond3A = arith.constant 0 : i32
      %cond3A_75 = arith.cmpi ne, %convert_element_type3A, %cond3A : i32
      scf.if %cond3A_75 {
        %dma_wait3A_102 = arith.constant 0 : i32
        %dma_wait3A_103 = arith.constant 0 : i32
        %dma_wait3A_104 = tpu.memref_slice %arg6[%rem3A_71, %dma_wait3A_102, %dma_wait3A_103] : memref<4x128x128xf32, #tpu.memory_space<vmem>> -> memref<1x128x128xf32, #tpu.memory_space<vmem>>
        %dma_wait3A_105 = tpu.memref_squeeze %dma_wait3A_104 : memref<1x128x128xf32, #tpu.memory_space<vmem>> -> memref<128x128xf32, #tpu.memory_space<vmem>>
        %dma_wait3A_106 = arith.constant 0 : i32
        %dma_wait3A_107 = tpu.memref_slice %arg5[%scan3A_68, %dma_wait3A_106] : memref<50x128xi32, #tpu.memory_space<vmem>> -> memref<1x128xi32, #tpu.memory_space<vmem>>
        %dma_wait3A_108 = tpu.memref_squeeze %dma_wait3A_107 : memref<1x128xi32, #tpu.memory_space<vmem>> -> memref<128xi32, #tpu.memory_space<vmem>>
        %dma_wait3A_109 = arith.constant 0 : i32
        %dma_wait3A_110 = arith.constant 0 : i32
        %dma_wait3A_111 = tpu.memref_slice %arg3[%dma_wait3A_109, %dma_wait3A_110] : memref<1000000x128xf32, #tpu.memory_space<hbm>> -> memref<1000000x128xf32, #tpu.memory_space<hbm>>
        tpu.wait_indirect_dma semaphore(%arg7 : memref<!tpu.dma_semaphore, #tpu.memory_space<semaphore_mem>>) src(%dma_wait3A_111 : memref<1000000x128xf32, #tpu.memory_space<hbm>>) dst(%dma_wait3A_105 : memref<128x128xf32, #tpu.memory_space<vmem>>)
      } else {
      }
      %eq3A_76 = arith.constant 1 : i32
      %eq3A_77 = arith.cmpi eq, %rem3A_73, %eq3A_76 : i32
      %convert_element_type3A_78 = arith.extui %eq3A_77 : i1 to i32
      %cond3A_79 = arith.constant 0 : i32
      %cond3A_80 = arith.cmpi ne, %convert_element_type3A_78, %cond3A_79 : i32
      scf.if %cond3A_80 {
        %dma_wait3A_102 = arith.constant 0 : i32
        %dma_wait3A_103 = arith.constant 0 : i32
        %dma_wait3A_104 = tpu.memref_slice %arg6[%rem3A_71, %dma_wait3A_102, %dma_wait3A_103] : memref<4x128x128xf32, #tpu.memory_space<vmem>> -> memref<1x128x128xf32, #tpu.memory_space<vmem>>
        %dma_wait3A_105 = tpu.memref_squeeze %dma_wait3A_104 : memref<1x128x128xf32, #tpu.memory_space<vmem>> -> memref<128x128xf32, #tpu.memory_space<vmem>>
        %dma_wait3A_106 = arith.constant 0 : i32
        %dma_wait3A_107 = tpu.memref_slice %arg5[%scan3A_68, %dma_wait3A_106] : memref<50x128xi32, #tpu.memory_space<vmem>> -> memref<1x128xi32, #tpu.memory_space<vmem>>
        %dma_wait3A_108 = tpu.memref_squeeze %dma_wait3A_107 : memref<1x128xi32, #tpu.memory_space<vmem>> -> memref<128xi32, #tpu.memory_space<vmem>>
        %dma_wait3A_109 = arith.constant 0 : i32
        %dma_wait3A_110 = arith.constant 0 : i32
        %dma_wait3A_111 = tpu.memref_slice %arg3[%dma_wait3A_109, %dma_wait3A_110] : memref<1000000x128xf32, #tpu.memory_space<hbm>> -> memref<1000000x128xf32, #tpu.memory_space<hbm>>
        tpu.wait_indirect_dma semaphore(%arg8 : memref<!tpu.dma_semaphore, #tpu.memory_space<semaphore_mem>>) src(%dma_wait3A_111 : memref<1000000x128xf32, #tpu.memory_space<hbm>>) dst(%dma_wait3A_105 : memref<128x128xf32, #tpu.memory_space<vmem>>)
      } else {
      }
      %ge3A = arith.constant 2 : i32
      %ge3A_81 = arith.cmpi sge, %scan3A_68, %ge3A : i32
      %convert_element_type3A_82 = arith.extui %ge3A_81 : i1 to i32
      %cond3A_83 = arith.constant 0 : i32
      %cond3A_84 = arith.cmpi ne, %convert_element_type3A_82, %cond3A_83 : i32
      scf.if %cond3A_84 {
        %eq3A_102 = arith.constant 0 : i32
        %eq3A_103 = arith.cmpi eq, %rem3A_73, %eq3A_102 : i32
        %convert_element_type3A_104 = arith.extui %eq3A_103 : i1 to i32
        %cond3A_105 = arith.constant 0 : i32
        %cond3A_106 = arith.cmpi ne, %convert_element_type3A_104, %cond3A_105 : i32
        scf.if %cond3A_106 {
          %sub3A = arith.constant 2 : i32
          %sub3A_112 = arith.subi %scan3A_68, %sub3A : i32
          %sub3A_113 = arith.constant 2 : i32
          %sub3A_114 = arith.subi %scan3A_68, %sub3A_113 : i32
          %rem3A_115 = arith.constant 4 : i32
          %rem3A_116 = arith.remsi %sub3A_114, %rem3A_115 : i32
          %add3A_117 = arith.addi %mul3A_2, %sub3A_112 : i32
          %mul3A_118 = arith.constant 128 : i32
          %mul3A_119 = arith.muli %add3A_117, %mul3A_118 : i32
          %dma_wait3A_120 = arith.constant 0 : i32
          %dma_wait3A_121 = arith.constant 0 : i32
          %dma_wait3A_122 = tpu.memref_slice %arg6[%rem3A_116, %dma_wait3A_120, %dma_wait3A_121] : memref<4x128x128xf32, #tpu.memory_space<vmem>> -> memref<1x128x128xf32, #tpu.memory_space<vmem>>
          %dma_wait3A_123 = tpu.memref_squeeze %dma_wait3A_122 : memref<1x128x128xf32, #tpu.memory_space<vmem>> -> memref<128x128xf32, #tpu.memory_space<vmem>>
          %dma_wait3A_124 = arith.constant 0 : i32
          %dma_wait3A_125 = tpu.memref_slice %arg4[%mul3A_119, %dma_wait3A_124] : memref<204800x128xf32, #tpu.memory_space<hbm>> -> memref<128x128xf32, #tpu.memory_space<hbm>>
          %dma_wait3A_126 = arith.constant 0 : i32
          %dma_wait3A_127 = tpu.memref_slice %arg4[%mul3A_119, %dma_wait3A_126] : memref<204800x128xf32, #tpu.memory_space<hbm>> -> memref<128x128xf32, #tpu.memory_space<hbm>>
          %dma_wait3A_128 = arith.constant 0 : i32
          %dma_wait3A_129 = arith.constant 0 : i32
          %dma_wait3A_130 = tpu.memref_slice %arg6[%rem3A_116, %dma_wait3A_128, %dma_wait3A_129] : memref<4x128x128xf32, #tpu.memory_space<vmem>> -> memref<1x128x128xf32, #tpu.memory_space<vmem>>
          %dma_wait3A_131 = tpu.memref_squeeze %dma_wait3A_130 : memref<1x128x128xf32, #tpu.memory_space<vmem>> -> memref<128x128xf32, #tpu.memory_space<vmem>>
          tpu.wait_dma2 semaphore(%arg9 : memref<!tpu.dma_semaphore, #tpu.memory_space<semaphore_mem>>) src(%dma_wait3A_131 : memref<128x128xf32, #tpu.memory_space<vmem>>) dst(%dma_wait3A_127 : memref<128x128xf32, #tpu.memory_space<hbm>>)
        } else {
        }
        %eq3A_107 = arith.constant 1 : i32
        %eq3A_108 = arith.cmpi eq, %rem3A_73, %eq3A_107 : i32
        %convert_element_type3A_109 = arith.extui %eq3A_108 : i1 to i32
        %cond3A_110 = arith.constant 0 : i32
        %cond3A_111 = arith.cmpi ne, %convert_element_type3A_109, %cond3A_110 : i32
        scf.if %cond3A_111 {
          %sub3A = arith.constant 2 : i32
          %sub3A_112 = arith.subi %scan3A_68, %sub3A : i32
          %sub3A_113 = arith.constant 2 : i32
          %sub3A_114 = arith.subi %scan3A_68, %sub3A_113 : i32
          %rem3A_115 = arith.constant 4 : i32
          %rem3A_116 = arith.remsi %sub3A_114, %rem3A_115 : i32
          %add3A_117 = arith.addi %mul3A_2, %sub3A_112 : i32
          %mul3A_118 = arith.constant 128 : i32
          %mul3A_119 = arith.muli %add3A_117, %mul3A_118 : i32
          %dma_wait3A_120 = arith.constant 0 : i32
          %dma_wait3A_121 = arith.constant 0 : i32
          %dma_wait3A_122 = tpu.memref_slice %arg6[%rem3A_116, %dma_wait3A_120, %dma_wait3A_121] : memref<4x128x128xf32, #tpu.memory_space<vmem>> -> memref<1x128x128xf32, #tpu.memory_space<vmem>>
          %dma_wait3A_123 = tpu.memref_squeeze %dma_wait3A_122 : memref<1x128x128xf32, #tpu.memory_space<vmem>> -> memref<128x128xf32, #tpu.memory_space<vmem>>
          %dma_wait3A_124 = arith.constant 0 : i32
          %dma_wait3A_125 = tpu.memref_slice %arg4[%mul3A_119, %dma_wait3A_124] : memref<204800x128xf32, #tpu.memory_space<hbm>> -> memref<128x128xf32, #tpu.memory_space<hbm>>
          %dma_wait3A_126 = arith.constant 0 : i32
          %dma_wait3A_127 = tpu.memref_slice %arg4[%mul3A_119, %dma_wait3A_126] : memref<204800x128xf32, #tpu.memory_space<hbm>> -> memref<128x128xf32, #tpu.memory_space<hbm>>
          %dma_wait3A_128 = arith.constant 0 : i32
          %dma_wait3A_129 = arith.constant 0 : i32
          %dma_wait3A_130 = tpu.memref_slice %arg6[%rem3A_116, %dma_wait3A_128, %dma_wait3A_129] : memref<4x128x128xf32, #tpu.memory_space<vmem>> -> memref<1x128x128xf32, #tpu.memory_space<vmem>>
          %dma_wait3A_131 = tpu.memref_squeeze %dma_wait3A_130 : memref<1x128x128xf32, #tpu.memory_space<vmem>> -> memref<128x128xf32, #tpu.memory_space<vmem>>
          tpu.wait_dma2 semaphore(%arg10 : memref<!tpu.dma_semaphore, #tpu.memory_space<semaphore_mem>>) src(%dma_wait3A_131 : memref<128x128xf32, #tpu.memory_space<vmem>>) dst(%dma_wait3A_127 : memref<128x128xf32, #tpu.memory_space<hbm>>)
        } else {
        }
      } else {
      }
      %add3A_85 = arith.constant 2 : i32
      %add3A_86 = arith.addi %scan3A_68, %add3A_85 : i32
      %lt3A = arith.constant 50 : i32
      %lt3A_87 = arith.cmpi slt, %add3A_86, %lt3A : i32
      %convert_element_type3A_88 = arith.extui %lt3A_87 : i1 to i32
      %cond3A_89 = arith.constant 0 : i32
      %cond3A_90 = arith.cmpi ne, %convert_element_type3A_88, %cond3A_89 : i32
      scf.if %cond3A_90 {
        %eq3A_102 = arith.constant 0 : i32
        %eq3A_103 = arith.cmpi eq, %rem3A_73, %eq3A_102 : i32
        %convert_element_type3A_104 = arith.extui %eq3A_103 : i1 to i32
        %cond3A_105 = arith.constant 0 : i32
        %cond3A_106 = arith.cmpi ne, %convert_element_type3A_104, %cond3A_105 : i32
        scf.if %cond3A_106 {
          %add3A_112 = arith.constant 2 : i32
          %add3A_113 = arith.addi %scan3A_68, %add3A_112 : i32
          %add3A_114 = arith.constant 2 : i32
          %add3A_115 = arith.addi %scan3A_68, %add3A_114 : i32
          %rem3A_116 = arith.constant 4 : i32
          %rem3A_117 = arith.remsi %add3A_115, %rem3A_116 : i32
          %dma_start3A_118 = arith.constant 0 : i32
          %dma_start3A_119 = arith.constant 0 : i32
          %dma_start3A_120 = tpu.memref_slice %arg6[%rem3A_117, %dma_start3A_118, %dma_start3A_119] : memref<4x128x128xf32, #tpu.memory_space<vmem>> -> memref<1x128x128xf32, #tpu.memory_space<vmem>>
          %dma_start3A_121 = tpu.memref_squeeze %dma_start3A_120 : memref<1x128x128xf32, #tpu.memory_space<vmem>> -> memref<128x128xf32, #tpu.memory_space<vmem>>
          %dma_start3A_122 = arith.constant 0 : i32
          %dma_start3A_123 = tpu.memref_slice %arg5[%add3A_113, %dma_start3A_122] : memref<50x128xi32, #tpu.memory_space<vmem>> -> memref<1x128xi32, #tpu.memory_space<vmem>>
          %dma_start3A_124 = tpu.memref_squeeze %dma_start3A_123 : memref<1x128xi32, #tpu.memory_space<vmem>> -> memref<128xi32, #tpu.memory_space<vmem>>
          %dma_start3A_125 = arith.constant 0 : i32
          %dma_start3A_126 = arith.constant 0 : i32
          %dma_start3A_127 = tpu.memref_slice %arg3[%dma_start3A_125, %dma_start3A_126] : memref<1000000x128xf32, #tpu.memory_space<hbm>> -> memref<1000000x128xf32, #tpu.memory_space<hbm>>
          tpu.enqueue_indirect_dma source(%dma_start3A_127 : memref<1000000x128xf32, #tpu.memory_space<hbm>>) target(%dma_start3A_121 : memref<128x128xf32, #tpu.memory_space<vmem>>) offsets(%dma_start3A_124 : memref<128xi32, #tpu.memory_space<vmem>>) semaphore(%arg7 : memref<!tpu.dma_semaphore, #tpu.memory_space<semaphore_mem>>)
        } else {
        }
        %eq3A_107 = arith.constant 1 : i32
        %eq3A_108 = arith.cmpi eq, %rem3A_73, %eq3A_107 : i32
        %convert_element_type3A_109 = arith.extui %eq3A_108 : i1 to i32
        %cond3A_110 = arith.constant 0 : i32
        %cond3A_111 = arith.cmpi ne, %convert_element_type3A_109, %cond3A_110 : i32
        scf.if %cond3A_111 {
          %add3A_112 = arith.constant 2 : i32
          %add3A_113 = arith.addi %scan3A_68, %add3A_112 : i32
          %add3A_114 = arith.constant 2 : i32
          %add3A_115 = arith.addi %scan3A_68, %add3A_114 : i32
          %rem3A_116 = arith.constant 4 : i32
          %rem3A_117 = arith.remsi %add3A_115, %rem3A_116 : i32
          %dma_start3A_118 = arith.constant 0 : i32
          %dma_start3A_119 = arith.constant 0 : i32
          %dma_start3A_120 = tpu.memref_slice %arg6[%rem3A_117, %dma_start3A_118, %dma_start3A_119] : memref<4x128x128xf32, #tpu.memory_space<vmem>> -> memref<1x128x128xf32, #tpu.memory_space<vmem>>
          %dma_start3A_121 = tpu.memref_squeeze %dma_start3A_120 : memref<1x128x128xf32, #tpu.memory_space<vmem>> -> memref<128x128xf32, #tpu.memory_space<vmem>>
          %dma_start3A_122 = arith.constant 0 : i32
          %dma_start3A_123 = tpu.memref_slice %arg5[%add3A_113, %dma_start3A_122] : memref<50x128xi32, #tpu.memory_space<vmem>> -> memref<1x128xi32, #tpu.memory_space<vmem>>
          %dma_start3A_124 = tpu.memref_squeeze %dma_start3A_123 : memref<1x128xi32, #tpu.memory_space<vmem>> -> memref<128xi32, #tpu.memory_space<vmem>>
          %dma_start3A_125 = arith.constant 0 : i32
          %dma_start3A_126 = arith.constant 0 : i32
          %dma_start3A_127 = tpu.memref_slice %arg3[%dma_start3A_125, %dma_start3A_126] : memref<1000000x128xf32, #tpu.memory_space<hbm>> -> memref<1000000x128xf32, #tpu.memory_space<hbm>>
          tpu.enqueue_indirect_dma source(%dma_start3A_127 : memref<1000000x128xf32, #tpu.memory_space<hbm>>) target(%dma_start3A_121 : memref<128x128xf32, #tpu.memory_space<vmem>>) offsets(%dma_start3A_124 : memref<128xi32, #tpu.memory_space<vmem>>) semaphore(%arg8 : memref<!tpu.dma_semaphore, #tpu.memory_space<semaphore_mem>>)
        } else {
        }
      } else {
      }
      %eq3A_91 = arith.constant 0 : i32
      %eq3A_92 = arith.cmpi eq, %rem3A_73, %eq3A_91 : i32
      %convert_element_type3A_93 = arith.extui %eq3A_92 : i1 to i32
      %cond3A_94 = arith.constant 0 : i32
      %cond3A_95 = arith.cmpi ne, %convert_element_type3A_93, %cond3A_94 : i32
      scf.if %cond3A_95 {
        %add3A_102 = arith.addi %mul3A_2, %scan3A_68 : i32
        %mul3A_103 = arith.constant 128 : i32
        %mul3A_104 = arith.muli %add3A_102, %mul3A_103 : i32
        %dma_start3A_105 = arith.constant 0 : i32
        %dma_start3A_106 = arith.constant 0 : i32
        %dma_start3A_107 = tpu.memref_slice %arg6[%rem3A_71, %dma_start3A_105, %dma_start3A_106] : memref<4x128x128xf32, #tpu.memory_space<vmem>> -> memref<1x128x128xf32, #tpu.memory_space<vmem>>
        %dma_start3A_108 = tpu.memref_squeeze %dma_start3A_107 : memref<1x128x128xf32, #tpu.memory_space<vmem>> -> memref<128x128xf32, #tpu.memory_space<vmem>>
        %dma_start3A_109 = arith.constant 0 : i32
        %dma_start3A_110 = tpu.memref_slice %arg4[%mul3A_104, %dma_start3A_109] : memref<204800x128xf32, #tpu.memory_space<hbm>> -> memref<128x128xf32, #tpu.memory_space<hbm>>
        %dma_start3A_111 = arith.constant 0 : i32
        %dma_start3A_112 = tpu.memref_slice %arg4[%mul3A_104, %dma_start3A_111] : memref<204800x128xf32, #tpu.memory_space<hbm>> -> memref<128x128xf32, #tpu.memory_space<hbm>>
        %dma_start3A_113 = arith.constant 0 : i32
        %dma_start3A_114 = arith.constant 0 : i32
        %dma_start3A_115 = tpu.memref_slice %arg6[%rem3A_71, %dma_start3A_113, %dma_start3A_114] : memref<4x128x128xf32, #tpu.memory_space<vmem>> -> memref<1x128x128xf32, #tpu.memory_space<vmem>>
        %dma_start3A_116 = tpu.memref_squeeze %dma_start3A_115 : memref<1x128x128xf32, #tpu.memory_space<vmem>> -> memref<128x128xf32, #tpu.memory_space<vmem>>
        tpu.enqueue_dma source(%dma_start3A_116 : memref<128x128xf32, #tpu.memory_space<vmem>>) target(%dma_start3A_112 : memref<128x128xf32, #tpu.memory_space<hbm>>) target_semaphore(%arg9 : memref<!tpu.dma_semaphore, #tpu.memory_space<semaphore_mem>>)
      } else {
      }
      %eq3A_96 = arith.constant 1 : i32
      %eq3A_97 = arith.cmpi eq, %rem3A_73, %eq3A_96 : i32
      %convert_element_type3A_98 = arith.extui %eq3A_97 : i1 to i32
      %cond3A_99 = arith.constant 0 : i32
      %cond3A_100 = arith.cmpi ne, %convert_element_type3A_98, %cond3A_99 : i32
      scf.if %cond3A_100 {
        %add3A_102 = arith.addi %mul3A_2, %scan3A_68 : i32
        %mul3A_103 = arith.constant 128 : i32
        %mul3A_104 = arith.muli %add3A_102, %mul3A_103 : i32
        %dma_start3A_105 = arith.constant 0 : i32
        %dma_start3A_106 = arith.constant 0 : i32
        %dma_start3A_107 = tpu.memref_slice %arg6[%rem3A_71, %dma_start3A_105, %dma_start3A_106] : memref<4x128x128xf32, #tpu.memory_space<vmem>> -> memref<1x128x128xf32, #tpu.memory_space<vmem>>
        %dma_start3A_108 = tpu.memref_squeeze %dma_start3A_107 : memref<1x128x128xf32, #tpu.memory_space<vmem>> -> memref<128x128xf32, #tpu.memory_space<vmem>>
        %dma_start3A_109 = arith.constant 0 : i32
        %dma_start3A_110 = tpu.memref_slice %arg4[%mul3A_104, %dma_start3A_109] : memref<204800x128xf32, #tpu.memory_space<hbm>> -> memref<128x128xf32, #tpu.memory_space<hbm>>
        %dma_start3A_111 = arith.constant 0 : i32
        %dma_start3A_112 = tpu.memref_slice %arg4[%mul3A_104, %dma_start3A_111] : memref<204800x128xf32, #tpu.memory_space<hbm>> -> memref<128x128xf32, #tpu.memory_space<hbm>>
        %dma_start3A_113 = arith.constant 0 : i32
        %dma_start3A_114 = arith.constant 0 : i32
        %dma_start3A_115 = tpu.memref_slice %arg6[%rem3A_71, %dma_start3A_113, %dma_start3A_114] : memref<4x128x128xf32, #tpu.memory_space<vmem>> -> memref<1x128x128xf32, #tpu.memory_space<vmem>>
        %dma_start3A_116 = tpu.memref_squeeze %dma_start3A_115 : memref<1x128x128xf32, #tpu.memory_space<vmem>> -> memref<128x128xf32, #tpu.memory_space<vmem>>
        tpu.enqueue_dma source(%dma_start3A_116 : memref<128x128xf32, #tpu.memory_space<vmem>>) target(%dma_start3A_112 : memref<128x128xf32, #tpu.memory_space<hbm>>) target_semaphore(%arg10 : memref<!tpu.dma_semaphore, #tpu.memory_space<semaphore_mem>>)
      } else {
      }
      %scan3A_101 = arith.constant 0 : i32
      scf.yield %scan3A_101 : i32
    }
    %scan3A_31 = arith.constant 50 : i32
    %rem3A = arith.constant 48 : i32
    %rem3A_32 = arith.constant 4 : i32
    %rem3A_33 = arith.remsi %rem3A, %rem3A_32 : i32
    %add3A_34 = arith.constant 48 : i32
    %add3A_35 = arith.addi %mul3A_2, %add3A_34 : i32
    %mul3A_36 = arith.constant 128 : i32
    %mul3A_37 = arith.muli %add3A_35, %mul3A_36 : i32
    %dma_wait3A = arith.constant 0 : i32
    %dma_wait3A_38 = arith.constant 0 : i32
    %dma_wait3A_39 = tpu.memref_slice %arg6[%rem3A_33, %dma_wait3A, %dma_wait3A_38] : memref<4x128x128xf32, #tpu.memory_space<vmem>> -> memref<1x128x128xf32, #tpu.memory_space<vmem>>
    %dma_wait3A_40 = tpu.memref_squeeze %dma_wait3A_39 : memref<1x128x128xf32, #tpu.memory_space<vmem>> -> memref<128x128xf32, #tpu.memory_space<vmem>>
    %dma_wait3A_41 = arith.constant 0 : i32
    %dma_wait3A_42 = tpu.memref_slice %arg4[%mul3A_37, %dma_wait3A_41] : memref<204800x128xf32, #tpu.memory_space<hbm>> -> memref<128x128xf32, #tpu.memory_space<hbm>>
    %dma_wait3A_43 = arith.constant 0 : i32
    %dma_wait3A_44 = tpu.memref_slice %arg4[%mul3A_37, %dma_wait3A_43] : memref<204800x128xf32, #tpu.memory_space<hbm>> -> memref<128x128xf32, #tpu.memory_space<hbm>>
    %dma_wait3A_45 = arith.constant 0 : i32
    %dma_wait3A_46 = arith.constant 0 : i32
    %dma_wait3A_47 = tpu.memref_slice %arg6[%rem3A_33, %dma_wait3A_45, %dma_wait3A_46] : memref<4x128x128xf32, #tpu.memory_space<vmem>> -> memref<1x128x128xf32, #tpu.memory_space<vmem>>
    %dma_wait3A_48 = tpu.memref_squeeze %dma_wait3A_47 : memref<1x128x128xf32, #tpu.memory_space<vmem>> -> memref<128x128xf32, #tpu.memory_space<vmem>>
    tpu.wait_dma2 semaphore(%arg9 : memref<!tpu.dma_semaphore, #tpu.memory_space<semaphore_mem>>) src(%dma_wait3A_48 : memref<128x128xf32, #tpu.memory_space<vmem>>) dst(%dma_wait3A_44 : memref<128x128xf32, #tpu.memory_space<hbm>>)
    %rem3A_49 = arith.constant 49 : i32
    %rem3A_50 = arith.constant 4 : i32
    %rem3A_51 = arith.remsi %rem3A_49, %rem3A_50 : i32
    %add3A_52 = arith.constant 49 : i32
    %add3A_53 = arith.addi %mul3A_2, %add3A_52 : i32
    %mul3A_54 = arith.constant 128 : i32
    %mul3A_55 = arith.muli %add3A_53, %mul3A_54 : i32
    %dma_wait3A_56 = arith.constant 0 : i32
    %dma_wait3A_57 = arith.constant 0 : i32
    %dma_wait3A_58 = tpu.memref_slice %arg6[%rem3A_51, %dma_wait3A_56, %dma_wait3A_57] : memref<4x128x128xf32, #tpu.memory_space<vmem>> -> memref<1x128x128xf32, #tpu.memory_space<vmem>>
    %dma_wait3A_59 = tpu.memref_squeeze %dma_wait3A_58 : memref<1x128x128xf32, #tpu.memory_space<vmem>> -> memref<128x128xf32, #tpu.memory_space<vmem>>
    %dma_wait3A_60 = arith.constant 0 : i32
    %dma_wait3A_61 = tpu.memref_slice %arg4[%mul3A_55, %dma_wait3A_60] : memref<204800x128xf32, #tpu.memory_space<hbm>> -> memref<128x128xf32, #tpu.memory_space<hbm>>
    %dma_wait3A_62 = arith.constant 0 : i32
    %dma_wait3A_63 = tpu.memref_slice %arg4[%mul3A_55, %dma_wait3A_62] : memref<204800x128xf32, #tpu.memory_space<hbm>> -> memref<128x128xf32, #tpu.memory_space<hbm>>
    %dma_wait3A_64 = arith.constant 0 : i32
    %dma_wait3A_65 = arith.constant 0 : i32
    %dma_wait3A_66 = tpu.memref_slice %arg6[%rem3A_51, %dma_wait3A_64, %dma_wait3A_65] : memref<4x128x128xf32, #tpu.memory_space<vmem>> -> memref<1x128x128xf32, #tpu.memory_space<vmem>>
    %dma_wait3A_67 = tpu.memref_squeeze %dma_wait3A_66 : memref<1x128x128xf32, #tpu.memory_space<vmem>> -> memref<128x128xf32, #tpu.memory_space<vmem>>
    tpu.wait_dma2 semaphore(%arg10 : memref<!tpu.dma_semaphore, #tpu.memory_space<semaphore_mem>>) src(%dma_wait3A_67 : memref<128x128xf32, #tpu.memory_space<vmem>>) dst(%dma_wait3A_63 : memref<128x128xf32, #tpu.memory_space<hbm>>)
    return
  }
}

module attributes {stable_mosaic.version = 14 : i64} {
  func.func @_gru_body(%arg0: i32, %arg1: memref<1x4096x128xf32, #tpu.memory_space<vmem>>, %arg2: memref<128x192xf32, #tpu.memory_space<vmem>>, %arg3: memref<64x192xf32, #tpu.memory_space<vmem>>, %arg4: memref<1x192xf32, #tpu.memory_space<vmem>>, %arg5: memref<1x64xf32, #tpu.memory_space<vmem>>, %arg6: memref<1x64x4096xf32, #tpu.memory_space<vmem>>, %arg7: memref<64x4096xf32, #tpu.memory_space<vmem>>, %arg8: memref<4096x64xf32, #tpu.memory_space<vmem>>) attributes {dimension_semantics = [#tpu.dimension_semantics<arbitrary>], iteration_bounds = array<i64: 50>, scalar_prefetch = 0 : i64, scratch_operands = 1 : i64, tpu.core_type = #tpu.core_type<tc>, window_params = [{transform_indices = @transform_0, window_bounds = array<i64: 1, 4096, 128>}, {pipeline_mode = #tpu.pipeline_mode<synchronous>, transform_indices = @transform_1, window_bounds = array<i64: 128, 192>}, {pipeline_mode = #tpu.pipeline_mode<synchronous>, transform_indices = @transform_2, window_bounds = array<i64: 64, 192>}, {pipeline_mode = #tpu.pipeline_mode<synchronous>, transform_indices = @transform_3, window_bounds = array<i64: 1, 192>}, {pipeline_mode = #tpu.pipeline_mode<synchronous>, transform_indices = @transform_4, window_bounds = array<i64: 1, 64>}, {transform_indices = @transform_5, window_bounds = array<i64: 1, 64, 4096>}, {pipeline_mode = #tpu.pipeline_mode<synchronous>, transform_indices = @transform_6, window_bounds = array<i64: 64, 4096>}]} {
    %eq3A = arith.constant 0 : i32
    %eq3A_0 = arith.cmpi eq, %arg0, %eq3A : i32
    %convert_element_type3A = arith.extui %eq3A_0 : i1 to i32
    %cond3A = arith.constant 0 : i32
    %cond3A_1 = arith.cmpi ne, %convert_element_type3A, %cond3A : i32
    scf.if %cond3A_1 {
      %broadcast_in_dim3A = arith.constant 0.000000e+00 : f32
      %broadcast_in_dim3A_57 = vector.broadcast %broadcast_in_dim3A : f32 to vector<4096x64xf32>
      %swap3A_58 = arith.constant 0 : index
      %swap3A_59 = arith.constant 0 : index
      %swap3A_60 = vector.load %arg8[%swap3A_58, %swap3A_59] : memref<4096x64xf32, #tpu.memory_space<vmem>>, vector<4096x64xf32>
      tpu.vector_store %arg8[%swap3A_58, %swap3A_59], %broadcast_in_dim3A_57 {strides = array<i32>} : memref<4096x64xf32, #tpu.memory_space<vmem>>, vector<4096x64xf32>,
    } else {
    }
    %get3A = arith.constant 0 : index
    %get3A_2 = arith.constant 0 : index
    %get3A_3 = arith.constant 0 : index
    %get3A_4 = vector.load %arg1[%get3A, %get3A_2, %get3A_3] : memref<1x4096x128xf32, #tpu.memory_space<vmem>>, vector<1x4096x128xf32>
    %get3A_5 = vector.shape_cast %get3A_4 : vector<1x4096x128xf32> to vector<4096x128xf32>
    %get3A_6 = arith.constant 0 : index
    %get3A_7 = arith.constant 0 : index
    %get3A_8 = vector.load %arg8[%get3A_6, %get3A_7] : memref<4096x64xf32, #tpu.memory_space<vmem>>, vector<4096x64xf32>
    %get3A_9 = arith.constant 0 : index
    %get3A_10 = arith.constant 0 : index
    %get3A_11 = vector.load %arg2[%get3A_9, %get3A_10] : memref<128x192xf32, #tpu.memory_space<vmem>>, vector<128x192xf32>
    %dot_general3A = arith.constant dense<0.000000e+00> : vector<4096x192xf32>
    %dot_general3A_12 = tpu.matmul %get3A_5, %get3A_11, %dot_general3A {dimension_numbers = #tpu.dot_dimension_numbers<[1], [0], [0], [1], [0, 0, 1, 1], [], []>, transpose_lhs_hint = false} : vector<4096x128xf32>, vector<128x192xf32>, vector<4096x192xf32> -> vector<4096x192xf32>
    %get3A_13 = arith.constant 0 : index
    %get3A_14 = arith.constant 0 : index
    %get3A_15 = vector.load %arg3[%get3A_13, %get3A_14] : memref<64x192xf32, #tpu.memory_space<vmem>>, vector<64x192xf32>
    %dot_general3A_16 = arith.constant dense<0.000000e+00> : vector<4096x192xf32>
    %dot_general3A_17 = tpu.matmul %get3A_8, %get3A_15, %dot_general3A_16 {dimension_numbers = #tpu.dot_dimension_numbers<[1], [0], [0], [1], [0, 0, 1, 1], [], []>, transpose_lhs_hint = false} : vector<4096x64xf32>, vector<64x192xf32>, vector<4096x192xf32> -> vector<4096x192xf32>
    %get3A_18 = arith.constant 0 : index
    %get3A_19 = arith.constant 0 : index
    %get3A_20 = vector.load %arg4[%get3A_18, %get3A_19] : memref<1x192xf32, #tpu.memory_space<vmem>>, vector<1x192xf32>
    %add3A = vector.broadcast %get3A_20 : vector<1x192xf32> to vector<4096x192xf32>
    %add3A_21 = arith.addf %dot_general3A_17, %add3A : vector<4096x192xf32>
    %slice3A = vector.extract_strided_slice %dot_general3A_12 {offsets = [0, 0], sizes = [4096, 128], strides = [1, 1]} : vector<4096x192xf32> to vector<4096x128xf32>
    %slice3A_22 = vector.extract_strided_slice %add3A_21 {offsets = [0, 0], sizes = [4096, 128], strides = [1, 1]} : vector<4096x192xf32> to vector<4096x128xf32>
    %add3A_23 = arith.addf %slice3A, %slice3A_22 : vector<4096x128xf32>
    %logistic3A = arith.negf %add3A_23 : vector<4096x128xf32>
    %logistic3A_24 = math.exp %logistic3A : vector<4096x128xf32>
    %logistic3A_25 = arith.constant 1.000000e+00 : f32
    %logistic3A_26 = vector.broadcast %logistic3A_25 : f32 to vector<4096x128xf32>
    %logistic3A_27 = arith.addf %logistic3A_26, %logistic3A_24 : vector<4096x128xf32>
    %logistic3A_28 = arith.divf %logistic3A_26, %logistic3A_27 : vector<4096x128xf32>
    %slice3A_29 = vector.extract_strided_slice %logistic3A_28 {offsets = [0, 64], sizes = [4096, 64], strides = [1, 1]} : vector<4096x128xf32> to vector<4096x64xf32>
    %slice3A_30 = vector.extract_strided_slice %dot_general3A_12 {offsets = [0, 128], sizes = [4096, 64], strides = [1, 1]} : vector<4096x192xf32> to vector<4096x64xf32>
    %slice3A_31 = vector.extract_strided_slice %logistic3A_28 {offsets = [0, 0], sizes = [4096, 64], strides = [1, 1]} : vector<4096x128xf32> to vector<4096x64xf32>
    %slice3A_32 = vector.extract_strided_slice %add3A_21 {offsets = [0, 128], sizes = [4096, 64], strides = [1, 1]} : vector<4096x192xf32> to vector<4096x64xf32>
    %mul3A = arith.mulf %slice3A_31, %slice3A_32 : vector<4096x64xf32>
    %add3A_33 = arith.addf %slice3A_30, %mul3A : vector<4096x64xf32>
    %get3A_34 = arith.constant 0 : index
    %get3A_35 = arith.constant 0 : index
    %get3A_36 = vector.load %arg5[%get3A_34, %get3A_35] : memref<1x64xf32, #tpu.memory_space<vmem>>, vector<1x64xf32>
    %add3A_37 = vector.broadcast %get3A_36 : vector<1x64xf32> to vector<4096x64xf32>
    %add3A_38 = arith.addf %add3A_33, %add3A_37 : vector<4096x64xf32>
    %tanh3A = math.tanh %add3A_38 : vector<4096x64xf32>
    %sub3A = arith.constant 1.000000e+00 : f32
    %sub3A_39 = vector.broadcast %sub3A : f32 to vector<4096x64xf32>
    %sub3A_40 = arith.subf %sub3A_39, %slice3A_29 : vector<4096x64xf32>
    %mul3A_41 = arith.mulf %sub3A_40, %tanh3A : vector<4096x64xf32>
    %mul3A_42 = arith.mulf %slice3A_29, %get3A_8 : vector<4096x64xf32>
    %add3A_43 = arith.addf %mul3A_41, %mul3A_42 : vector<4096x64xf32>
    %swap3A = arith.constant 0 : index
    %swap3A_44 = arith.constant 0 : index
    %swap3A_45 = vector.load %arg8[%swap3A, %swap3A_44] : memref<4096x64xf32, #tpu.memory_space<vmem>>, vector<4096x64xf32>
    tpu.vector_store %arg8[%swap3A, %swap3A_44], %add3A_43 {strides = array<i32>} : memref<4096x64xf32, #tpu.memory_space<vmem>>, vector<4096x64xf32>,
    %transpose3A = tpu.transpose %add3A_43, [1, 0] : vector<4096x64xf32> -> vector<64x4096xf32>
    %swap3A_46 = arith.constant 0 : index
    %swap3A_47 = arith.constant 0 : index
    %swap3A_48 = arith.constant 0 : index
    %swap3A_49 = vector.load %arg6[%swap3A_46, %swap3A_47, %swap3A_48] : memref<1x64x4096xf32, #tpu.memory_space<vmem>>, vector<1x64x4096xf32>
    %swap3A_50 = vector.shape_cast %swap3A_49 : vector<1x64x4096xf32> to vector<64x4096xf32>
    %swap3A_51 = vector.shape_cast %transpose3A : vector<64x4096xf32> to vector<1x64x4096xf32>
    tpu.vector_store %arg6[%swap3A_46, %swap3A_47, %swap3A_48], %swap3A_51 {strides = array<i32>} : memref<1x64x4096xf32, #tpu.memory_space<vmem>>, vector<1x64x4096xf32>,
    %eq3A_52 = arith.constant 49 : i32
    %eq3A_53 = arith.cmpi eq, %arg0, %eq3A_52 : i32
    %convert_element_type3A_54 = arith.extui %eq3A_53 : i1 to i32
    %cond3A_55 = arith.constant 0 : i32
    %cond3A_56 = arith.cmpi ne, %convert_element_type3A_54, %cond3A_55 : i32
    scf.if %cond3A_56 {
      %transpose3A_57 = tpu.transpose %add3A_43, [1, 0] : vector<4096x64xf32> -> vector<64x4096xf32>
      %swap3A_58 = arith.constant 0 : index
      %swap3A_59 = arith.constant 0 : index
      %swap3A_60 = vector.load %arg7[%swap3A_58, %swap3A_59] : memref<64x4096xf32, #tpu.memory_space<vmem>>, vector<64x4096xf32>
      tpu.vector_store %arg7[%swap3A_58, %swap3A_59], %transpose3A_57 {strides = array<i32>} : memref<64x4096xf32, #tpu.memory_space<vmem>>, vector<64x4096xf32>,
    } else {
    }
    return
  }
  func.func @transform_0(%arg0: i32) -> (i32, i32, i32) {
    %c0_i32 = arith.constant 0 : i32
    %c0_i32_0 = arith.constant 0 : i32
    %c0_i32_1 = arith.constant 0 : i32
    return %arg0, %c0_i32, %c0_i32_0 : i32, i32, i32
  }
  func.func @transform_1(%arg0: i32) -> (i32, i32) {
    %c0_i32 = arith.constant 0 : i32
    %c0_i32_0 = arith.constant 0 : i32
    %c0_i32_1 = arith.constant 0 : i32
    return %c0_i32, %c0_i32_0 : i32, i32
  }
  func.func @transform_2(%arg0: i32) -> (i32, i32) {
    %c0_i32 = arith.constant 0 : i32
    %c0_i32_0 = arith.constant 0 : i32
    %c0_i32_1 = arith.constant 0 : i32
    return %c0_i32, %c0_i32_0 : i32, i32
  }
  func.func @transform_3(%arg0: i32) -> (i32, i32) {
    %c0_i32 = arith.constant 0 : i32
    %c0_i32_0 = arith.constant 0 : i32
    %c0_i32_1 = arith.constant 0 : i32
    return %c0_i32, %c0_i32_0 : i32, i32
  }
  func.func @transform_4(%arg0: i32) -> (i32, i32) {
    %c0_i32 = arith.constant 0 : i32
    %c0_i32_0 = arith.constant 0 : i32
    %c0_i32_1 = arith.constant 0 : i32
    return %c0_i32, %c0_i32_0 : i32, i32
  }
  func.func @transform_5(%arg0: i32) -> (i32, i32, i32) {
    %c0_i32 = arith.constant 0 : i32
    %c0_i32_0 = arith.constant 0 : i32
    %c0_i32_1 = arith.constant 0 : i32
    return %arg0, %c0_i32, %c0_i32_0 : i32, i32, i32
  }
  func.func @transform_6(%arg0: i32) -> (i32, i32) {
    %c0_i32 = arith.constant 0 : i32
    %c0_i32_0 = arith.constant 0 : i32
    %c0_i32_1 = arith.constant 0 : i32
    return %c0_i32, %c0_i32_0 : i32, i32
  }
}

</mosaic_0001>

<sc_bundles>
// kernel: kernel.4.cloned.1.call-start
scs
__scs_entry_jumppad:
0x0: {  	(pc) =	sbr.rel $0x88, $3  }
0x1: {  	(tag) =	ssettag $0x0;
	lr =	simm.s32 $0x1  }
0x2: {  	[smem:$0x3F9B] =	sst lr;
	_ =	strace $0xD0000000  }
0x3: {  	_ = 	snop  }
0x4: {  	_ = 	snop  }
0x5: {  	_ = 	snop  }
0x6: {  	_ = 	snop  }
0x7: {  	_ = 	snop  }
__scs_overlays_trampoline_lowered:
0x8: {  	[smem:$0x3FAA] =	sst s0  }
0x9: {  	[smem:$0x3FAB] =	sst s1  }
0xa: {  	[smem:$0x3FAC] =	sst s2  }
0xb: {  	[smem:$0x3FAD] =	sst s3  }
0xc: {  	[smem:$0x3FAE] =	sst s4  }
0xd: {  	[smem:$0x3FAF] =	sst s5  }
0xe: {  	[smem:$0x3FB0] =	sst s6  }
0xf: {  	[smem:$0x3FB1] =	sst s7  }
0x10: {  	[smem:$0x3FB2] =	sst s8  }
0x11: {  	[smem:$0x3FB3] =	sst s9;
	s0 =	simm.s32 @!p0 $0x0  }
0x12: {  	s1 =	sld [smem:$0x3F99];
	s0 =	simm.s32 @p0 $0x1  }
0x13: {  	[smem:$0x3FB4] =	sst s0;
	s0 =	simm.s32 @!p1 $0x0  }
0x14: {  	s2 =	sld [smem:$0x3F98];
	s0 =	simm.s32 @p1 $0x1  }
0x15: {  	[smem:$0x3FB5] =	sst s0;
	s0 =	simm.s32 @!p2 $0x0  }
0x16: {  	s3 =	sld [smem:$0x3FDB];
	s0 =	simm.s32 @p2 $0x1  }
0x17: {  	s4 =	simm.s32 $0x1BF5;
	[smem:$0x3FB7] =	sst s0  }
0x18: {  	s0 =	sld [smem:$0x3F9A];
	_ =	swait.ge [sflag:s4], $0x0  }
0x19: {  	s7 =	sld [smem:$0x3F9B]  }
0x1a: {  	s8 =	sadd.s32 $0xFFFFE003, lr  }
0x1b: {  	s9 =	sadd.s32 $0xFFFFFEF7, lr;
	s5 =	simm.s32 $0xFFFFFFFF;
	p2 =	slt.u32 s8, $0xFFFFF086  }
0x1c: {  	p1 =	slt.u32 s9, $0xF7A;
	s5 =	simm.s32 @!p2 $0x0  }
0x1d: {  	s5 =	simm.s32 @p1 $0x1;
	p0 =	seq.s32 s7, s2  }
0x1e: {  	s7 =	smul.u32 @!p0 $0xF7A, s2;
	p2 =	seq.s32 @!p0 s5, $0x0  }
0x1f: {  	s9 =	smul.u32 $0xF7A, s1;
	s8 =	simm.s32 @!p0 $0x1BF5;
	p2 =	por !p2, p0  }
0x20: {  	[sflag:s8] =	ssyncset.s32 @!p0 $0xFFFFF086;
	s6 =	sadd.s32 @!p0 s3, s7;
	s7 =	simm.s32 @!p0 $0x108  }
0x21: {  	s3 =	sadd.s32 s3, s9;
	s6 =	sadd.s32 @!p0 $0x88, s6;
	s7 =	simm.s32 @p2 $0x1082  }
0x22: {  	[simem:s7], [sflag:s8] =	dma.local @!p0 [hbm:s6], $0xF7A  }
0x23: {  	s9 =	sor.u32 $0xD0000000, s2;
	s6 =	simm.s32 $0x108;
	_ =	swait.ge @!p0 [sflag:s8], $0x0  }
0x24: {  	s3 =	sadd.s32 $0x88, s3;
	s6 =	simm.s32 @!p1 $0x1082;
	[sflag:s4] =	ssyncset.s32 $0xFFFFF086  }
0x25: {  	[simem:s6], [sflag:s4] =	dma.local [hbm:s3], $0xF7A  }
0x26: {  	[smem:$0x3F9B] =	sst s1;
	(tag) =	ssettag s2;
	_ =	strace s9  }
0x27: {  	s1 =	sld [smem:$0x3FAB]  }
0x28: {  	s2 =	sld [smem:$0x3FAC]  }
0x29: {  	s4 =	sld [smem:$0x3FAE]  }
0x2a: {  	p0 =	seq.s32 s5, $0x0;
	s5 =	sld [smem:$0x3FAF]  }
0x2b: {  	s6 =	sld [smem:$0x3FB0]  }
0x2c: {  	s7 =	sld [smem:$0x3FB1]  }
0x2d: {  	s3 =	simm.s32 $0x108;
	s8 =	sld [smem:$0x3FB2]  }
0x2e: {  	s3 =	simm.s32 @!p0 $0x1082;
	s9 =	sld [smem:$0x3FB3]  }
0x2f: {  	lr =	sadd.s32 s0, s3;
	s0 =	sld [smem:$0x3FAA]  }
0x30: {  	s3 =	sld [smem:$0x3FAD]  }
0x31: {  	[smem:$0x3FB6] =	sst s10  }
0x32: {  	s10 =	sld [smem:$0x3FB4];
	_ =	sdelay $0x3  }
0x33: {  	p0 =	seq.s32 s10, $0x1;
	s10 =	sld [smem:$0x3FB6];
	_ =	sdelay $0x3  }
0x34: {  	[smem:$0x3FB6] =	sst s10  }
0x35: {  	s10 =	sld [smem:$0x3FB5];
	_ =	sdelay $0x3  }
0x36: {  	p1 =	seq.s32 s10, $0x1;
	s10 =	sld [smem:$0x3FB6];
	_ =	sdelay $0x3  }
0x37: {  	[smem:$0x3FB6] =	sst s10  }
0x38: {  	s10 =	sld [smem:$0x3FB7]  }
0x39: {  	_ = 	snop;
	(pc) =	sbr.ind lr, $3  }
0x3a: {  	_ = 	snop  }
0x3b: {  	_ = 	snop  }
0x3c: {  	p2 =	seq.s32 s10, $0x1;
	s10 =	sld [smem:$0x3FB6]  }
0x3d: {  	_ =	shalt  }
0x3e: {  	_ =	shalt  }
0x3f: {  	_ =	shalt  }
0x40: {  	_ =	shalt  }
0x41: {  	_ =	shalt  }
0x42: {  	_ =	shalt  }
0x43: {  	_ =	shalt  }
0x44: {  	_ =	shalt  }
0x45: {  	_ =	shalt  }
0x46: {  	_ =	shalt  }
0x47: {  	_ =	shalt  }
0x48: {  	_ =	shalt  }
0x49: {  	_ =	shalt  }
0x4a: {  	_ =	shalt  }
0x4b: {  	_ =	shalt  }
0x4c: {  	_ =	shalt  }
0x4d: {  	_ =	shalt  }
0x4e: {  	_ =	shalt  }
0x4f: {  	_ =	shalt  }
0x50: {  	_ =	shalt  }
0x51: {  	_ =	shalt  }
0x52: {  	_ =	shalt  }
0x53: {  	_ =	shalt  }
0x54: {  	_ =	shalt  }
0x55: {  	_ =	shalt  }
0x56: {  	_ =	shalt  }
0x57: {  	_ =	shalt  }
0x58: {  	_ =	shalt  }
0x59: {  	_ =	shalt  }
0x5a: {  	_ =	shalt  }
0x5b: {  	_ =	shalt  }
0x5c: {  	_ =	shalt  }
0x5d: {  	_ =	shalt  }
0x5e: {  	_ =	shalt  }
0x5f: {  	_ =	shalt  }
0x60: {  	_ =	shalt  }
0x61: {  	_ =	shalt  }
0x62: {  	_ =	shalt  }
0x63: {  	_ =	shalt  }
0x64: {  	_ =	shalt  }
0x65: {  	_ =	shalt  }
0x66: {  	_ =	shalt  }
0x67: {  	_ =	shalt  }
0x68: {  	_ =	shalt  }
0x69: {  	_ =	shalt  }
0x6a: {  	_ =	shalt  }
0x6b: {  	_ =	shalt  }
0x6c: {  	_ =	shalt  }
0x6d: {  	_ =	shalt  }
0x6e: {  	_ =	shalt  }
0x6f: {  	_ =	shalt  }
0x70: {  	_ =	shalt  }
0x71: {  	_ =	shalt  }
0x72: {  	_ =	shalt  }
0x73: {  	_ =	shalt  }
0x74: {  	_ =	shalt  }
0x75: {  	_ =	shalt  }
0x76: {  	_ =	shalt  }
0x77: {  	_ =	shalt  }
0x78: {  	_ =	shalt  }
0x79: {  	_ =	shalt  }
0x7a: {  	_ =	shalt  }
0x7b: {  	_ =	shalt  }
0x7c: {  	_ =	shalt  }
0x7d: {  	_ =	shalt  }
0x7e: {  	_ =	shalt  }
0x7f: {  	_ =	shalt  }
0x80: {  	_ =	shalt  }
0x81: {  	_ =	shalt  }
0x82: {  	_ =	shalt  }
0x83: {  	_ =	shalt  }
0x84: {  	_ =	shalt  }
0x85: {  	_ =	shalt  }
0x86: {  	_ =	shalt  }
0x87: {  	_ =	shalt  }
.Lfunc_end0:
.L_simem_size_0:
called_computation_lowered:
.L_overlay_start_0:
0x88: {  	s2 =	sld [smem:$0x3FD9]  }
0x89: {  	s3 =	sld [smem:$0x3FFE];
	_ =	sdelay $0x1  }
0x8a: {  	s1 =	srdreg.scid  }
0x8b: {  	s0 =	sand.u32 $0x1, s1  }
0x8c: {  	s14 =	sshll.u32 s0, $0xA;
	s2 =	sadd.s32 s3, s2  }
0x8d: {  	s2 =	sadd.s32 s2, s14  }
0x8e: {  	[smem:$0x3FC2] =	sst s2  }
0x8f: {  	_ = 	snop  }
0x90: {  	s2 =	sld [smem:$0x3FD0];
	_ =	sdelay $0x2  }
0x91: {  	s15 =	simm.s32 $0xA;
	s4 =	simm.s32 $0x10  }
0x92: {  	[smem:s4], [sflag:s15] =	dma.local [hbm:s2], $0x1  }
0x93: {  	_ =	swait.eq [sflag:s15], $0x1  }
0x94: {  	[sflag:s15] =	ssyncset.done $0x0  }
0x95: {  	[sflag:s15] =	ssyncadd.s32 $0xFFFFFFFF  }
0x96: {  	s16 =	sld [smem:$0x11];
	(tm) =	ssettm $0x1  }
0x97: {  	s17 =	sld [smem:$0x3FFB];
	_ =	sdelay $0x3  }
0x98: {  	_ =	strace s17  }
0x99: {  	s3 =	sld [smem:$0x3FFC];
	_ =	sdelay $0x3  }
0x9a: {  	_ =	strace s3  }
0x9b: {  	s3 =	sld [smem:$0x3FFD];
	_ =	sdelay $0x3  }
0x9c: {  	_ =	strace s3  }
0x9d: {  	_ =	strace $0x8FFFFFFF  }
0x9e: {  	s18 =	sld [smem:$0x3FDB];
	_ =	sdelay $0x1  }
0x9f: {  	s19 =	simm.s32 $_scs_section_size  }
0xa0: {  	s5 =	simm.s32 $_size__tile_overlayer_lowered;
	s6 =	simm.s32 $_tile_overlayer_lowered  }
0xa1: {  	s22 =	simm.s32 $0x1BFF;
	s21 =	sshll.u32 s6, $0x1;
	s3 =	sadd.s32 s19, s18  }
0xa2: {  	s7 =	simm.s32 $0x0;
	s20 =	sshll.u32 s5, $0x1;
	s5 =	sadd.s32 s21, s3  }
0xa3: {  	[timem:s7], [sflag:s22] =	dma.local [hbm:s5], s20  }
0xa4: {  	_ =	swait.ge [sflag:s22], s20  }
0xa5: {  	s4 =	ssub.s32 $0x0, s20;
	[sflag:s22] =	ssyncset.done $0x0  }
0xa6: {  	[sflag:s22] =	ssyncadd.s32 s4;
	_ =	sdelay $0x1  }
0xa7: {  	s23 =	simm.s32 $0x1B8B  }
0xa8: {  	_ =	swait.ge [sflag:s23], $0x1  }
0xa9: {  	[sflag:s23] =	ssyncset.done $0x0  }
0xaa: {  	s25 =	simm.s32 $0x1B8E;
	s24 =	sld [smem:$0x3FFE];
	[sflag:s23] =	ssyncadd.s32 $0xFFFFFFFF  }
0xab: {  	s26 =	simm.s32 $execute0_lowered;
	[smem:$0x3FD2] =	sst s25  }
0xac: {  	s5 =	sshll.u32 s26, $0x1;
	_ =	strace $0x80000046;
	[dreg:$0x1] =	wrdreg $0xFFFFFFFF  }
0xad: {  	s28 =	simm.s32 $_size_execute0_lowered;
	s3 =	sadd.s32 s3, s5;
	[dreg:$0x0] =	wrdreg $0x0  }
0xae: {  	s5 =	sshll.u32 s28, $0x1;
	[dreg:$0x2] =	wrdreg s3  }
0xaf: {  	[dreg:$0x3] =	wrdreg s5  }
0xb0: {  	[dreg:$0x4] =	wrdreg $0xC0  }
0xb1: {  	_ =	task [dreg:s7], $0x5FFFF  }
0xb2: {  	[dreg:$0x1] =	wrdreg $0xFFFFFFFF  }
0xb3: {  	[dreg:$0x0] =	wrdreg $0x60  }
0xb4: {  	[dreg:$0x2] =	wrdreg s16  }
0xb5: {  	[dreg:$0x3] =	wrdreg s24  }
0xb6: {  	[dreg:$0x4] =	wrdreg $0x9  }
0xb7: {  	_ =	task.clear_ibuf [dreg:s7], $0x5FFFF;
	_ =	strace $0x90000046  }
0xb8: {  	s29 =	simm.s32 $0x9;
	_ =	strace $0x80000048  }
0xb9: {  	_ =	swait.ge [sflag:s29], $0x1  }
0xba: {  	[sflag:s29] =	ssyncadd.s32 $0xFFFFFFFF  }
0xbb: {  	_ =	strace $0x90000048  }
0xbc: {  	_ =	sfence  }
0xbd: {  	s30 =	sld [smem:$0x0];
	_ =	sdelay $0x2  }
0xbe: {  	s31 =	sshll.u32 s1, $0xD;
	s1 =	sshrl.u32 s1, $0x2  }
0xbf: {  	s3 =	sand.u32 $0x4000, s31;
	s1 =	sadd.s32 s1, s30  }
0xc0: {  	s0 =	sor.u32 s3, s0;
	s1 =	sshll.u32 s1, $0x11  }
0xc1: {  	s0 =	sor.u32 s1, s0  }
0xc2: {  	s0 =	sadd.s32 $0x8F2B, s0  }
0xc3: {  	[sflag:s0] =	ssyncadd.remote.s32 $0x1  }
0xc4: {  	_ =	sfence.sel $0xFFFF  }
0xc5: {  	[dreg:$0x0] =	wrdreg $0xFFFFFFFF;
	(pc) =	sbr.abs _section_cstart, $3  }
0xc6: {  	[dreg:$0x1] =	wrdreg $0xFFFFFFFF  }
0xc7: {  	_ =	task.clear_ibuf [dreg:s7], $0x2FFFF;
	_ =	strace $0x9FFFFFFF  }
0xc8: {  	(tm) =	ssettm $0x7FFFFFFF  }
0xc9: {  	_ =	shalt  }
tec
execute0_lowered:
.L_overlay_start_1:
0x0: {  	(tag) =	ssettag $0x1  }
0x1: {  	s1 =	srdreg.scid;
	s5 =	rddreg [dreg:$0x0]  }
0x2: {  	s0 =	stileid.u32;
	s4 =	rddreg [dreg:$0x1];
	s2 =	simm.s32 $0x0  }
0x3: {  	s11 =	simm.s32 $0x5900;
	s12 =	simm.s32 $0x1;
	s13 =	simm.s32 $0x2  }
0x4: {  	s14 =	simm.s32 $0x3;
	s15 =	simm.s32 $0x4;
	s16 =	simm.s32 $0x0  }
0x5: {  	s3 =	sand.u32 $0x1, s1;
	s1 =	rddreg [dreg:$0x2];
	s8 =	smul.u32 $0x32000, s0  }
0x6: {  	s31 =	sshll.u32 s0, $0x1;
	[smem:$0x7FF] =	sst s2;
	s10 =	smul.u32 $0x19000, s3  }
.Ltmp0:
0x7: {  	s6 =	sor.u32 s3, s31;
	s7 =	ssub.s32 $0x2, s3;
	(pc) =	sbr.rel .LBB2_1-.Ltmp0, $4  }
0x8: {  	_ =	strace $0x80000047;
	s6 =	smul.u32 $0x320, s6;
	s9 =	sshrl.u32 s7, $0x1  }
0x9: {  	s3 =	sadd.s32 $0xF43400, s4;
	s4 =	sadd.s32 $0x1000, s4;
	s7 =	ssub.s32 s7, s9  }
0xa: {  	s9 =	simm.s32 $0x80;
	s5 =	sadd.s32 s5, s6;
	s6 =	smax.u32 s7, $0x1  }
0xb: {  	s7 =	sadd.s32 s10, s8;
	s8 =	simm.s32 $0x5;
	s10 =	simm.s32 $0x1900  }
.LBB2_9:
0xc: {  	s16 =	sadd.s32 $0x1, s16  }
0xd: {  	_ =	swait.ge [sflag:s14], $0x4000;
	p0 =	sne.s32 s16, s6  }
.Ltmp1:
0xe: {  	[sflag:s14] =	ssyncset.done $0x0;
	(pc) =	sbr.rel @!p0 .LBB2_10-.Ltmp1, $4  }
0xf: {  	[sflag:s14] =	ssyncadd.s32 $0xFFFFC000  }
0x10: {  	_ =	swait.ge [sflag:s15], $0x4000  }
0x11: {  	[sflag:s15] =	ssyncset.done $0x0  }
0x12: {  	[sflag:s15] =	ssyncadd.s32 $0xFFFFC000  }
.LBB2_1:
0x13: {  	[tilespmem:s2], [sflag:$0x5] =	stream.linear.gather [hbm4b:s5+s2], $0x1900, $0x38;
	[tilespmem:$0x11900] =	vst v63  }
0x14: {  	_ =	swait.ge [sflag:s8], $0x1900  }
.Ltmp2:
0x15: {  	[sflag:s8] =	ssyncset.done $0x0;
	(pc) =	sbr.rel .LBB2_2-.Ltmp2, $4  }
0x16: {  	[sflag:s8] =	ssyncadd.s32 $0xFFFFE700  }
0x17: {  	[tilespmem:s10], [sflag:$0x1] =	stream.indirect.gather [hbm4b:s3+s9], $0x80, s2, s9, $0xb8;
	[tilespmem:$0x11900] =	vst v63  }
0x18: {  	s17 =	smov.u32 s7;
	s18 =	simm.s32 $0x2;
	s19 =	simm.s32 $0x0  }
0x19: {  	[tilespmem:s11], [sflag:$0x2] =	stream.indirect.gather [hbm4b:s3+s9], $0x80, s9, s9, $0xb8;
	[tilespmem:$0x11900] =	vst v63  }
.LBB2_5:
0x1a: {  	s21 =	sand.u32 $0x1FFFF000, s17;
	s20 =	simm.s32 $0x3  }
.LBB2_8:
0x1b: {  	s18 =	sadd.s32 $0x1, s18  }
0x1c: {  	p0 =	sne.s32 s18, $0x34  }
.Ltmp3:
0x1d: {  	_ = 	snop;
	(pc) =	sbr.rel @!p0 .LBB2_9-.Ltmp3, $4  }
0x1e: {  	s22 =	sand.u32 $0x30000, s19  }
0x1f: {  	s21 =	sadd.s32 s4, s21;
	s22 =	sshrl.u32 s22, $0x2  }
0x20: {  	s19 =	sadd.s32 $0x10000, s19;
	s17 =	sadd.s32 $0x800, s17;
	s22 =	sor.u32 $0x1900, s22  }
0x21: {  	[hbm4b:s21+s2] =	stream.linear.scatter [tilespmem:s22], [sflag:s20], $0x4000, $0x38;
	[tilespmem:$0x11900] =	vst v63  }
.LBB2_2:
0x22: {  	s20 =	sadd.s32 $0xFFFFFFFE, s18  }
0x23: {  	s21 =	sand.u32 $0x1, s20  }
0x24: {  	p2 =	seq.s32 s21, $0x1  }
.Ltmp4:
0x25: {  	_ = 	snop;
	(pc) =	sbr.rel @p2 .LBB2_6-.Ltmp4, $3  }
0x26: {  	_ =	sdelay $0x1  }
0x27: {  	p0 =	sgt.u32 s20, $0x1  }
0x28: {  	p1 =	slt.u32 @p0 s20, $0x30  }
0x29: {  	_ =	swait.ge [sflag:s12], $0x4000;
	p1 =	por !p0, p1  }
.Ltmp5:
0x2a: {  	[sflag:s12] =	ssyncset.done $0x0;
	(pc) =	sbr.rel @!p1 .LBB2_5-.Ltmp5, $4  }
0x2b: {  	s20 =	simm.s32 @p0 $0x3;
	[sflag:s12] =	ssyncadd.s32 $0xFFFFC000  }
0x2c: {  	_ =	swait.ge @p0 [sflag:s20], $0x4000  }
0x2d: {  	[sflag:s20] =	ssyncset.done @p0 $0x0  }
0x2e: {  	[sflag:s20] =	ssyncadd.s32 @p0 $0xFFFFC000  }
0x2f: {  	s20 =	smov.u32 s18  }
.Ltmp6:
0x30: {  	s20 =	simm.s32 @!p0 $0x2;
	(pc) =	sbr.rel .LBB2_5-.Ltmp6, $4  }
0x31: {  	s21 =	sshll.u32 s20, $0xE  }
0x32: {  	s20 =	sshll.u32 s20, $0x7;
	s21 =	sand.u32 $0x8000, s21  }
0x33: {  	s20 =	sand.u32 $0x3FFFFF80, s20;
	s21 =	sor.u32 $0x1900, s21  }
0x34: {  	[tilespmem:s21], [sflag:$0x1] =	stream.indirect.gather [hbm4b:s3+s9], $0x80, s20, s9, $0xb8;
	[tilespmem:$0x11900] =	vst v63  }
.LBB2_6:
0x35: {  	_ =	swait.ge [sflag:s13], $0x4000;
	p1 =	por !p0, p1  }
.Ltmp7:
0x36: {  	[sflag:s13] =	ssyncset.done $0x0;
	(pc) =	sbr.rel @!p1 .LBB2_8-.Ltmp7, $4  }
0x37: {  	s20 =	simm.s32 @p0 $0x4;
	[sflag:s13] =	ssyncadd.s32 $0xFFFFC000  }
0x38: {  	_ =	swait.ge @p0 [sflag:s20], $0x4000  }
0x39: {  	[sflag:s20] =	ssyncset.done @p0 $0x0  }
0x3a: {  	s21 =	smov.u32 s17;
	[sflag:s20] =	ssyncadd.s32 @p0 $0xFFFFC000  }
0x3b: {  	s20 =	smov.u32 s18  }
0x3c: {  	s20 =	simm.s32 @!p0 $0x3  }
.Ltmp8:
0x3d: {  	s21 =	sshll.u32 s20, $0xE;
	(pc) =	sbr.rel .LBB2_8-.Ltmp8, $4  }
0x3e: {  	s20 =	sshll.u32 s20, $0x7;
	s21 =	sand.u32 $0xC000, s21  }
0x3f: {  	s20 =	sand.u32 $0x3FFFFF80, s20;
	s21 =	sor.u32 $0x1900, s21  }
0x40: {  	[tilespmem:s21], [sflag:$0x2] =	stream.indirect.gather [hbm4b:s3+s9], $0x80, s20, s9, $0xb8;
	[tilespmem:$0x11900] =	vst v63  }
0x41: {  	s20 =	simm.s32 $0x4;
	s21 =	smov.u32 s17  }
.LBB2_10:
0x42: {  	_ =	sfence.sel $0x180000  }
0x43: {  	[bflag:$0x0] =	sbarrier.arrive $0xFFFF  }
0x44: {  	p0 =	sne.s32 s0, $0x0;
	_ =	strace $0x90000047  }
0x45: {  	s0 =	sadd.s32 @!p0 $0x100000, s1;
	[bflag:$0x2] =	sbarrier.arrive $0xFFFF  }
0x46: {  	[sflag:s0] =	ssyncadd.tile.s32 @!p0 $0x1;
	_ =	shalt  }
.Lfunc_end2:
_tile_overlayer_lowered:
.L_overlay_start_2:
0x47: {  	(tag) =	ssettag $0x2  }
0x48: {  	s0 =	rddreg [dreg:$0x0];
	s2 =	stileid.u32  }
0x49: {  	s1 =	rddreg [dreg:$0x1];
	p0 =	sne.s32 s2, $0x0  }
0x4a: {  	s3 =	rddreg [dreg:$0x2];
	[bflag:$0x3] =	sbarrier.arrive $0xFFFF;
	s2 =	simm.s32 @!p0 $0x1C05  }
0x4b: {  	[timem:s3], [sflag:s2] =	dma.local @!p0 [hbm:s0], s1  }
0x4c: {  	s0 =	simm.s32 @!p0 $0x5  }
0x4d: {  	_ =	swait.ge @!p0 [sflag:s0], s1  }
0x4e: {  	s1 =	ssub.s32 @!p0 $0x0, s1;
	[sflag:s0] =	ssyncset.done @!p0 $0x0  }
0x4f: {  	[sflag:s0] =	ssyncadd.s32 @!p0 s1  }
0x50: {  	[bflag:$0x3] =	sbarrier.arrive $0xFFFF  }
0x51: {  	_ =	shalt  }

</sc_bundles>
